<compile_context>
chip_gen: v7x
topology: tpu7x:2x2x1
jax: 0.10.2.dev20260603
libtpu: 0.0.44.dev20260713+nightly
codegen_flags: <defaults>
</compile_context>

<pallas_src>
import jax
import jax.numpy as jnp
from jax import lax
from jax.experimental import pallas as pl
from jax.experimental.pallas import tpu as pltpu
from jax.experimental.pallas import tpu_sc as plsc

_L, _B, _D = 200, 4096, 64
_BW = 128
_NCH = _L
_NG = _NCH // 4


def _emb_body(table_hbm, idx_hbm, out_hbm, idx_v, g0, g1, g2, g3,
              gs0, gs1, gs2, gs3, ss0, ss1, ss2, ss3):
    wid = lax.axis_index("s") * 2 + lax.axis_index("c")
    b0 = wid * _BW
    pltpu.sync_copy(idx_hbm.at[:, pl.ds(b0, _BW)], idx_v)

    gbufs = (g0, g1, g2, g3)
    gsems = (gs0, gs1, gs2, gs3)
    ssems = (ss0, ss1, ss2, ss3)

    def gstart(c, q):
        pltpu.async_copy(table_hbm.at[idx_v.at[c]], gbufs[q], gsems[q])

    def gwait(c, q):
        pltpu.make_async_copy(
            table_hbm.at[idx_v.at[c]], gbufs[q], gsems[q]).wait()

    def sstart(c, q):
        pltpu.async_copy(
            gbufs[q], out_hbm.at[c, pl.ds(b0, _BW), :], ssems[q])

    def swait(c, q):
        pltpu.make_async_copy(
            gbufs[q], out_hbm.at[c, pl.ds(b0, _BW), :], ssems[q]).wait()

    gstart(0, 0)
    gstart(1, 1)

    def group(g, carry):
        cb = 4 * g
        for q in range(4):
            c = cb + q
            nq = (q + 2) % 4
            if q >= 2:
                swait(c - 2, nq)
            else:
                @pl.when(g > 0)
                def _():
                    swait(c - 2, nq)

            @pl.when(c + 2 < _NCH)
            def _():
                gstart(c + 2, nq)

            gwait(c, q)
            sstart(c, q)
        return carry

    lax.fori_loop(0, _NG, group, 0)
    swait(_NCH - 2, 2)
    swait(_NCH - 1, 3)


def kernel(indices, labels, table):
    idx = indices.astype(jnp.int32)
    table128 = jnp.pad(table, ((0, 0), (0, 128 - _D)))
    mesh = plsc.VectorSubcoreMesh(core_axis_name="c", subcore_axis_name="s")
    out = pl.kernel(
        _emb_body,
        mesh=mesh,
        compiler_params=pltpu.CompilerParams(
            use_tc_tiling_on_sc=True, needs_layout_passes=False),
        out_type=jax.ShapeDtypeStruct((_L, _B, 128), jnp.float32),
        scratch_types=[
            pltpu.VMEM((_L, _BW), jnp.int32),
            pltpu.VMEM((_BW, 128), jnp.float32),
            pltpu.VMEM((_BW, 128), jnp.float32),
            pltpu.VMEM((_BW, 128), jnp.float32),
            pltpu.VMEM((_BW, 128), jnp.float32),
            pltpu.SemaphoreType.DMA,
            pltpu.SemaphoreType.DMA,
            pltpu.SemaphoreType.DMA,
            pltpu.SemaphoreType.DMA,
            pltpu.SemaphoreType.DMA,
            pltpu.SemaphoreType.DMA,
            pltpu.SemaphoreType.DMA,
            pltpu.SemaphoreType.DMA,
        ],
    )(table128, idx)
    return (out[:, :, :_D], labels)

# --- scband reference (transcript-rebuilt; emitter-appended) ---
"""Pipeline reference for scband-batch-word-embeddings-5686536700212 (READ-ONLY COPY).

The authoritative reference and input builder live on the scoring server;
editing this copy changes nothing except your own understanding.
"""

import jax, jax.numpy as jnp
import numpy as np

VOCAB = 100000  # word vocab; +2 rows for <UNK> and <PAD>
EMB_DIM = 64
UNK_IDX = VOCAB      # 100000
PAD_IDX = VOCAB + 1  # 100001
L, B = 200, 4096


def setup_inputs(seed: int = 0) -> dict:
    key = jax.random.key(seed)
    k1, k2, k3 = jax.random.split(key, 3)
    # Token indices for padded batch, shape [L, B] (pad_sequence default batch_first=False).
    indices = jax.random.randint(k1, (L, B), 0, VOCAB).astype(jnp.int64)
    labels = jax.random.randint(k2, (B,), 0, 2).astype(jnp.int64)
    # Embedding table (weight.data.normal_(0.0, 1.0)), padding row zeroed like nn.Embedding(padding_idx=...).
    table = jax.random.normal(k3, (VOCAB + 2, EMB_DIM), dtype=jnp.float32)
    table = table.at[PAD_IDX].set(0.0)
    return {"indices": indices, "labels": labels, "table": table}


def reference(indices, labels, table):
    # Faithful core of _BatchWordEmbeddings.forward after sentences are tokenized,
    # sorted and padded: embeddings = self.embeddings(padded); return (embeddings, labels).
    embeddings = jnp.take(table, indices, axis=0)  # [L, B, EMB_DIM]
    return (embeddings, labels)

if __name__ == "__main__":
    import jax
    _d = setup_inputs()
    print(jax.jit(kernel)(*tuple(_d.values())))

</pallas_src>

<mosaic_0001>
#map = affine_map<(d0, d1) -> (0, 0)>
#map1 = affine_map<(d0, d1) -> (0, 0, 0)>
module attributes {stable_mosaic.version = 14 : i64} {
  func.func @_emb_body(%arg0: i32, %arg1: i32, %arg2: memref<100002x128xf32, #tpu.memory_space<hbm>>, %arg3: memref<200x4096xi32, #tpu.memory_space<hbm>>, %arg4: memref<200x4096x128xf32, #tpu.memory_space<hbm>>, %arg5: memref<200x128xi32, #tpu.memory_space<vmem>>, %arg6: memref<128x128xf32, #tpu.memory_space<vmem>>, %arg7: memref<128x128xf32, #tpu.memory_space<vmem>>, %arg8: memref<128x128xf32, #tpu.memory_space<vmem>>, %arg9: memref<128x128xf32, #tpu.memory_space<vmem>>, %arg10: memref<!tpu.dma_semaphore, #tpu.memory_space<semaphore_mem>>, %arg11: memref<!tpu.dma_semaphore, #tpu.memory_space<semaphore_mem>>, %arg12: memref<!tpu.dma_semaphore, #tpu.memory_space<semaphore_mem>>, %arg13: memref<!tpu.dma_semaphore, #tpu.memory_space<semaphore_mem>>, %arg14: memref<!tpu.dma_semaphore, #tpu.memory_space<semaphore_mem>>, %arg15: memref<!tpu.dma_semaphore, #tpu.memory_space<semaphore_mem>>, %arg16: memref<!tpu.dma_semaphore, #tpu.memory_space<semaphore_mem>>, %arg17: memref<!tpu.dma_semaphore, #tpu.memory_space<semaphore_mem>>) attributes {dimension_semantics = [#tpu.dimension_semantics<core_parallel>, #tpu.dimension_semantics<subcore_parallel>], iteration_bounds = array<i64: 2, 16>, scalar_prefetch = 0 : i64, scratch_operands = 13 : i64, tpu.core_type = #tpu.core_type<sc_vector_subcore>, window_params = [{transform_indices = #map}, {transform_indices = #map}, {transform_indices = #map1}]} {
    %mul3A = arith.constant 2 : i32
    %mul3A_0 = arith.muli %arg1, %mul3A : i32
    %add3A = arith.addi %mul3A_0, %arg0 : i32
    %mul3A_1 = arith.constant 128 : i32
    %mul3A_2 = arith.muli %add3A, %mul3A_1 : i32
    "tpu.region"() ({
      %run_scoped3A = tpu.sem_alloc : memref<!tpu.dma_semaphore, #tpu.memory_space<semaphore_mem>>
      %dma_start3A_34 = arith.constant 0 : i32
      %dma_start3A_35 = tpu.memref_slice %arg3[%dma_start3A_34, %mul3A_2] : memref<200x4096xi32, #tpu.memory_space<hbm>> -> memref<200x128xi32, #tpu.memory_space<hbm>>
      %dma_start3A_36 = arith.constant 0 : i32
      %dma_start3A_37 = tpu.memref_slice %arg3[%dma_start3A_36, %mul3A_2] : memref<200x4096xi32, #tpu.memory_space<hbm>> -> memref<200x128xi32, #tpu.memory_space<hbm>>
      tpu.enqueue_dma source(%dma_start3A_37 : memref<200x128xi32, #tpu.memory_space<hbm>>) target(%arg5 : memref<200x128xi32, #tpu.memory_space<vmem>>) target_semaphore(%run_scoped3A : memref<!tpu.dma_semaphore, #tpu.memory_space<semaphore_mem>>)
      %dma_wait3A_38 = arith.constant 0 : i32
      %dma_wait3A_39 = tpu.memref_slice %arg3[%dma_wait3A_38, %mul3A_2] : memref<200x4096xi32, #tpu.memory_space<hbm>> -> memref<200x128xi32, #tpu.memory_space<hbm>>
      %dma_wait3A_40 = arith.constant 0 : i32
      %dma_wait3A_41 = tpu.memref_slice %arg3[%dma_wait3A_40, %mul3A_2] : memref<200x4096xi32, #tpu.memory_space<hbm>> -> memref<200x128xi32, #tpu.memory_space<hbm>>
      tpu.wait_dma2 semaphore(%run_scoped3A : memref<!tpu.dma_semaphore, #tpu.memory_space<semaphore_mem>>) src(%dma_wait3A_41 : memref<200x128xi32, #tpu.memory_space<hbm>>) dst(%arg5 : memref<200x128xi32, #tpu.memory_space<vmem>>)
      tpu.yield
    }) : () -> ()
    %dma_start3A = arith.constant 0 : i32
    %dma_start3A_3 = arith.constant 0 : i32
    %dma_start3A_4 = tpu.memref_slice %arg5[%dma_start3A, %dma_start3A_3] : memref<200x128xi32, #tpu.memory_space<vmem>> -> memref<1x128xi32, #tpu.memory_space<vmem>>
    %dma_start3A_5 = tpu.memref_squeeze %dma_start3A_4 : memref<1x128xi32, #tpu.memory_space<vmem>> -> memref<128xi32, #tpu.memory_space<vmem>>
    %dma_start3A_6 = arith.constant 0 : i32
    %dma_start3A_7 = arith.constant 0 : i32
    %dma_start3A_8 = tpu.memref_slice %arg2[%dma_start3A_6, %dma_start3A_7] : memref<100002x128xf32, #tpu.memory_space<hbm>> -> memref<100002x128xf32, #tpu.memory_space<hbm>>
    tpu.enqueue_indirect_dma source(%dma_start3A_8 : memref<100002x128xf32, #tpu.memory_space<hbm>>) target(%arg6 : memref<128x128xf32, #tpu.memory_space<vmem>>) offsets(%dma_start3A_5 : memref<128xi32, #tpu.memory_space<vmem>>) semaphore(%arg10 : memref<!tpu.dma_semaphore, #tpu.memory_space<semaphore_mem>>)
    %dma_start3A_9 = arith.constant 1 : i32
    %dma_start3A_10 = arith.constant 0 : i32
    %dma_start3A_11 = tpu.memref_slice %arg5[%dma_start3A_9, %dma_start3A_10] : memref<200x128xi32, #tpu.memory_space<vmem>> -> memref<1x128xi32, #tpu.memory_space<vmem>>
    %dma_start3A_12 = tpu.memref_squeeze %dma_start3A_11 : memref<1x128xi32, #tpu.memory_space<vmem>> -> memref<128xi32, #tpu.memory_space<vmem>>
    %dma_start3A_13 = arith.constant 0 : i32
    %dma_start3A_14 = arith.constant 0 : i32
    %dma_start3A_15 = tpu.memref_slice %arg2[%dma_start3A_13, %dma_start3A_14] : memref<100002x128xf32, #tpu.memory_space<hbm>> -> memref<100002x128xf32, #tpu.memory_space<hbm>>
    tpu.enqueue_indirect_dma source(%dma_start3A_15 : memref<100002x128xf32, #tpu.memory_space<hbm>>) target(%arg7 : memref<128x128xf32, #tpu.memory_space<vmem>>) offsets(%dma_start3A_12 : memref<128xi32, #tpu.memory_space<vmem>>) semaphore(%arg11 : memref<!tpu.dma_semaphore, #tpu.memory_space<semaphore_mem>>)
    %scan3A = arith.constant 0 : i32
    %scan3A_16 = arith.constant 0 : i32
    %scan3A_17 = arith.constant 50 : i32
    %scan3A_18 = arith.addi %scan3A_16, %scan3A_17 : i32
    %scan3A_19 = arith.constant 1 : i32
    scf.for %scan3A_34 = %scan3A_16 to %scan3A_18 step %scan3A_19  : i32 {
      %mul3A_35 = arith.constant 4 : i32
      %mul3A_36 = arith.muli %mul3A_35, %scan3A_34 : i32
      %add3A_37 = arith.constant 0 : i32
      %add3A_38 = arith.addi %mul3A_36, %add3A_37 : i32
      %gt3A = arith.constant 0 : i32
      %gt3A_39 = arith.cmpi sgt, %scan3A_34, %gt3A : i32
      %convert_element_type3A = arith.extui %gt3A_39 : i1 to i32
      %cond3A = arith.constant 0 : i32
      %cond3A_40 = arith.cmpi ne, %convert_element_type3A, %cond3A : i32
      scf.if %cond3A_40 {
        %sub3A_142 = arith.constant 2 : i32
        %sub3A_143 = arith.subi %add3A_38, %sub3A_142 : i32
        %dma_wait3A_144 = arith.constant 0 : i32
        %dma_wait3A_145 = tpu.memref_slice %arg4[%sub3A_143, %mul3A_2, %dma_wait3A_144] : memref<200x4096x128xf32, #tpu.memory_space<hbm>> -> memref<1x128x128xf32, #tpu.memory_space<hbm>>
        %dma_wait3A_146 = tpu.memref_squeeze %dma_wait3A_145 : memref<1x128x128xf32, #tpu.memory_space<hbm>> -> memref<128x128xf32, #tpu.memory_space<hbm>>
        %dma_wait3A_147 = arith.constant 0 : i32
        %dma_wait3A_148 = tpu.memref_slice %arg4[%sub3A_143, %mul3A_2, %dma_wait3A_147] : memref<200x4096x128xf32, #tpu.memory_space<hbm>> -> memref<1x128x128xf32, #tpu.memory_space<hbm>>
        %dma_wait3A_149 = tpu.memref_squeeze %dma_wait3A_148 : memref<1x128x128xf32, #tpu.memory_space<hbm>> -> memref<128x128xf32, #tpu.memory_space<hbm>>
        tpu.wait_dma2 semaphore(%arg16 : memref<!tpu.dma_semaphore, #tpu.memory_space<semaphore_mem>>) src(%arg8 : memref<128x128xf32, #tpu.memory_space<vmem>>) dst(%dma_wait3A_149 : memref<128x128xf32, #tpu.memory_space<hbm>>)
      } else {
      }
      %add3A_41 = arith.constant 2 : i32
      %add3A_42 = arith.addi %add3A_38, %add3A_41 : i32
      %lt3A = arith.constant 200 : i32
      %lt3A_43 = arith.cmpi slt, %add3A_42, %lt3A : i32
      %convert_element_type3A_44 = arith.extui %lt3A_43 : i1 to i32
      %cond3A_45 = arith.constant 0 : i32
      %cond3A_46 = arith.cmpi ne, %convert_element_type3A_44, %cond3A_45 : i32
      scf.if %cond3A_46 {
        %add3A_142 = arith.constant 2 : i32
        %add3A_143 = arith.addi %add3A_38, %add3A_142 : i32
        %dma_start3A_144 = arith.constant 0 : i32
        %dma_start3A_145 = tpu.memref_slice %arg5[%add3A_143, %dma_start3A_144] : memref<200x128xi32, #tpu.memory_space<vmem>> -> memref<1x128xi32, #tpu.memory_space<vmem>>
        %dma_start3A_146 = tpu.memref_squeeze %dma_start3A_145 : memref<1x128xi32, #tpu.memory_space<vmem>> -> memref<128xi32, #tpu.memory_space<vmem>>
        %dma_start3A_147 = arith.constant 0 : i32
        %dma_start3A_148 = arith.constant 0 : i32
        %dma_start3A_149 = tpu.memref_slice %arg2[%dma_start3A_147, %dma_start3A_148] : memref<100002x128xf32, #tpu.memory_space<hbm>> -> memref<100002x128xf32, #tpu.memory_space<hbm>>
        tpu.enqueue_indirect_dma source(%dma_start3A_149 : memref<100002x128xf32, #tpu.memory_space<hbm>>) target(%arg8 : memref<128x128xf32, #tpu.memory_space<vmem>>) offsets(%dma_start3A_146 : memref<128xi32, #tpu.memory_space<vmem>>) semaphore(%arg12 : memref<!tpu.dma_semaphore, #tpu.memory_space<semaphore_mem>>)
      } else {
      }
      %dma_wait3A_47 = arith.constant 0 : i32
      %dma_wait3A_48 = tpu.memref_slice %arg5[%add3A_38, %dma_wait3A_47] : memref<200x128xi32, #tpu.memory_space<vmem>> -> memref<1x128xi32, #tpu.memory_space<vmem>>
      %dma_wait3A_49 = tpu.memref_squeeze %dma_wait3A_48 : memref<1x128xi32, #tpu.memory_space<vmem>> -> memref<128xi32, #tpu.memory_space<vmem>>
      %dma_wait3A_50 = arith.constant 0 : i32
      %dma_wait3A_51 = arith.constant 0 : i32
      %dma_wait3A_52 = tpu.memref_slice %arg2[%dma_wait3A_50, %dma_wait3A_51] : memref<100002x128xf32, #tpu.memory_space<hbm>> -> memref<100002x128xf32, #tpu.memory_space<hbm>>
      tpu.wait_indirect_dma semaphore(%arg10 : memref<!tpu.dma_semaphore, #tpu.memory_space<semaphore_mem>>) src(%dma_wait3A_52 : memref<100002x128xf32, #tpu.memory_space<hbm>>) dst(%arg6 : memref<128x128xf32, #tpu.memory_space<vmem>>)
      %dma_start3A_53 = arith.constant 0 : i32
      %dma_start3A_54 = tpu.memref_slice %arg4[%add3A_38, %mul3A_2, %dma_start3A_53] : memref<200x4096x128xf32, #tpu.memory_space<hbm>> -> memref<1x128x128xf32, #tpu.memory_space<hbm>>
      %dma_start3A_55 = tpu.memref_squeeze %dma_start3A_54 : memref<1x128x128xf32, #tpu.memory_space<hbm>> -> memref<128x128xf32, #tpu.memory_space<hbm>>
      %dma_start3A_56 = arith.constant 0 : i32
      %dma_start3A_57 = tpu.memref_slice %arg4[%add3A_38, %mul3A_2, %dma_start3A_56] : memref<200x4096x128xf32, #tpu.memory_space<hbm>> -> memref<1x128x128xf32, #tpu.memory_space<hbm>>
      %dma_start3A_58 = tpu.memref_squeeze %dma_start3A_57 : memref<1x128x128xf32, #tpu.memory_space<hbm>> -> memref<128x128xf32, #tpu.memory_space<hbm>>
      tpu.enqueue_dma source(%arg6 : memref<128x128xf32, #tpu.memory_space<vmem>>) target(%dma_start3A_58 : memref<128x128xf32, #tpu.memory_space<hbm>>) target_semaphore(%arg14 : memref<!tpu.dma_semaphore, #tpu.memory_space<semaphore_mem>>)
      %add3A_59 = arith.constant 1 : i32
      %add3A_60 = arith.addi %mul3A_36, %add3A_59 : i32
      %gt3A_61 = arith.constant 0 : i32
      %gt3A_62 = arith.cmpi sgt, %scan3A_34, %gt3A_61 : i32
      %convert_element_type3A_63 = arith.extui %gt3A_62 : i1 to i32
      %cond3A_64 = arith.constant 0 : i32
      %cond3A_65 = arith.cmpi ne, %convert_element_type3A_63, %cond3A_64 : i32
      scf.if %cond3A_65 {
        %sub3A_142 = arith.constant 2 : i32
        %sub3A_143 = arith.subi %add3A_60, %sub3A_142 : i32
        %dma_wait3A_144 = arith.constant 0 : i32
        %dma_wait3A_145 = tpu.memref_slice %arg4[%sub3A_143, %mul3A_2, %dma_wait3A_144] : memref<200x4096x128xf32, #tpu.memory_space<hbm>> -> memref<1x128x128xf32, #tpu.memory_space<hbm>>
        %dma_wait3A_146 = tpu.memref_squeeze %dma_wait3A_145 : memref<1x128x128xf32, #tpu.memory_space<hbm>> -> memref<128x128xf32, #tpu.memory_space<hbm>>
        %dma_wait3A_147 = arith.constant 0 : i32
        %dma_wait3A_148 = tpu.memref_slice %arg4[%sub3A_143, %mul3A_2, %dma_wait3A_147] : memref<200x4096x128xf32, #tpu.memory_space<hbm>> -> memref<1x128x128xf32, #tpu.memory_space<hbm>>
        %dma_wait3A_149 = tpu.memref_squeeze %dma_wait3A_148 : memref<1x128x128xf32, #tpu.memory_space<hbm>> -> memref<128x128xf32, #tpu.memory_space<hbm>>
        tpu.wait_dma2 semaphore(%arg17 : memref<!tpu.dma_semaphore, #tpu.memory_space<semaphore_mem>>) src(%arg9 : memref<128x128xf32, #tpu.memory_space<vmem>>) dst(%dma_wait3A_149 : memref<128x128xf32, #tpu.memory_space<hbm>>)
      } else {
      }
      %add3A_66 = arith.constant 2 : i32
      %add3A_67 = arith.addi %add3A_60, %add3A_66 : i32
      %lt3A_68 = arith.constant 200 : i32
      %lt3A_69 = arith.cmpi slt, %add3A_67, %lt3A_68 : i32
      %convert_element_type3A_70 = arith.extui %lt3A_69 : i1 to i32
      %cond3A_71 = arith.constant 0 : i32
      %cond3A_72 = arith.cmpi ne, %convert_element_type3A_70, %cond3A_71 : i32
      scf.if %cond3A_72 {
        %add3A_142 = arith.constant 2 : i32
        %add3A_143 = arith.addi %add3A_60, %add3A_142 : i32
        %dma_start3A_144 = arith.constant 0 : i32
        %dma_start3A_145 = tpu.memref_slice %arg5[%add3A_143, %dma_start3A_144] : memref<200x128xi32, #tpu.memory_space<vmem>> -> memref<1x128xi32, #tpu.memory_space<vmem>>
        %dma_start3A_146 = tpu.memref_squeeze %dma_start3A_145 : memref<1x128xi32, #tpu.memory_space<vmem>> -> memref<128xi32, #tpu.memory_space<vmem>>
        %dma_start3A_147 = arith.constant 0 : i32
        %dma_start3A_148 = arith.constant 0 : i32
        %dma_start3A_149 = tpu.memref_slice %arg2[%dma_start3A_147, %dma_start3A_148] : memref<100002x128xf32, #tpu.memory_space<hbm>> -> memref<100002x128xf32, #tpu.memory_space<hbm>>
        tpu.enqueue_indirect_dma source(%dma_start3A_149 : memref<100002x128xf32, #tpu.memory_space<hbm>>) target(%arg9 : memref<128x128xf32, #tpu.memory_space<vmem>>) offsets(%dma_start3A_146 : memref<128xi32, #tpu.memory_space<vmem>>) semaphore(%arg13 : memref<!tpu.dma_semaphore, #tpu.memory_space<semaphore_mem>>)
      } else {
      }
      %dma_wait3A_73 = arith.constant 0 : i32
      %dma_wait3A_74 = tpu.memref_slice %arg5[%add3A_60, %dma_wait3A_73] : memref<200x128xi32, #tpu.memory_space<vmem>> -> memref<1x128xi32, #tpu.memory_space<vmem>>
      %dma_wait3A_75 = tpu.memref_squeeze %dma_wait3A_74 : memref<1x128xi32, #tpu.memory_space<vmem>> -> memref<128xi32, #tpu.memory_space<vmem>>
      %dma_wait3A_76 = arith.constant 0 : i32
      %dma_wait3A_77 = arith.constant 0 : i32
      %dma_wait3A_78 = tpu.memref_slice %arg2[%dma_wait3A_76, %dma_wait3A_77] : memref<100002x128xf32, #tpu.memory_space<hbm>> -> memref<100002x128xf32, #tpu.memory_space<hbm>>
      tpu.wait_indirect_dma semaphore(%arg11 : memref<!tpu.dma_semaphore, #tpu.memory_space<semaphore_mem>>) src(%dma_wait3A_78 : memref<100002x128xf32, #tpu.memory_space<hbm>>) dst(%arg7 : memref<128x128xf32, #tpu.memory_space<vmem>>)
      %dma_start3A_79 = arith.constant 0 : i32
      %dma_start3A_80 = tpu.memref_slice %arg4[%add3A_60, %mul3A_2, %dma_start3A_79] : memref<200x4096x128xf32, #tpu.memory_space<hbm>> -> memref<1x128x128xf32, #tpu.memory_space<hbm>>
      %dma_start3A_81 = tpu.memref_squeeze %dma_start3A_80 : memref<1x128x128xf32, #tpu.memory_space<hbm>> -> memref<128x128xf32, #tpu.memory_space<hbm>>
      %dma_start3A_82 = arith.constant 0 : i32
      %dma_start3A_83 = tpu.memref_slice %arg4[%add3A_60, %mul3A_2, %dma_start3A_82] : memref<200x4096x128xf32, #tpu.memory_space<hbm>> -> memref<1x128x128xf32, #tpu.memory_space<hbm>>
      %dma_start3A_84 = tpu.memref_squeeze %dma_start3A_83 : memref<1x128x128xf32, #tpu.memory_space<hbm>> -> memref<128x128xf32, #tpu.memory_space<hbm>>
      tpu.enqueue_dma source(%arg7 : memref<128x128xf32, #tpu.memory_space<vmem>>) target(%dma_start3A_84 : memref<128x128xf32, #tpu.memory_space<hbm>>) target_semaphore(%arg15 : memref<!tpu.dma_semaphore, #tpu.memory_space<semaphore_mem>>)
      %add3A_85 = arith.constant 2 : i32
      %add3A_86 = arith.addi %mul3A_36, %add3A_85 : i32
      %sub3A = arith.constant 2 : i32
      %sub3A_87 = arith.subi %add3A_86, %sub3A : i32
      %dma_wait3A_88 = arith.constant 0 : i32
      %dma_wait3A_89 = tpu.memref_slice %arg4[%sub3A_87, %mul3A_2, %dma_wait3A_88] : memref<200x4096x128xf32, #tpu.memory_space<hbm>> -> memref<1x128x128xf32, #tpu.memory_space<hbm>>
      %dma_wait3A_90 = tpu.memref_squeeze %dma_wait3A_89 : memref<1x128x128xf32, #tpu.memory_space<hbm>> -> memref<128x128xf32, #tpu.memory_space<hbm>>
      %dma_wait3A_91 = arith.constant 0 : i32
      %dma_wait3A_92 = tpu.memref_slice %arg4[%sub3A_87, %mul3A_2, %dma_wait3A_91] : memref<200x4096x128xf32, #tpu.memory_space<hbm>> -> memref<1x128x128xf32, #tpu.memory_space<hbm>>
      %dma_wait3A_93 = tpu.memref_squeeze %dma_wait3A_92 : memref<1x128x128xf32, #tpu.memory_space<hbm>> -> memref<128x128xf32, #tpu.memory_space<hbm>>
      tpu.wait_dma2 semaphore(%arg14 : memref<!tpu.dma_semaphore, #tpu.memory_space<semaphore_mem>>) src(%arg6 : memref<128x128xf32, #tpu.memory_space<vmem>>) dst(%dma_wait3A_93 : memref<128x128xf32, #tpu.memory_space<hbm>>)
      %add3A_94 = arith.constant 2 : i32
      %add3A_95 = arith.addi %add3A_86, %add3A_94 : i32
      %lt3A_96 = arith.constant 200 : i32
      %lt3A_97 = arith.cmpi slt, %add3A_95, %lt3A_96 : i32
      %convert_element_type3A_98 = arith.extui %lt3A_97 : i1 to i32
      %cond3A_99 = arith.constant 0 : i32
      %cond3A_100 = arith.cmpi ne, %convert_element_type3A_98, %cond3A_99 : i32
      scf.if %cond3A_100 {
        %add3A_142 = arith.constant 2 : i32
        %add3A_143 = arith.addi %add3A_86, %add3A_142 : i32
        %dma_start3A_144 = arith.constant 0 : i32
        %dma_start3A_145 = tpu.memref_slice %arg5[%add3A_143, %dma_start3A_144] : memref<200x128xi32, #tpu.memory_space<vmem>> -> memref<1x128xi32, #tpu.memory_space<vmem>>
        %dma_start3A_146 = tpu.memref_squeeze %dma_start3A_145 : memref<1x128xi32, #tpu.memory_space<vmem>> -> memref<128xi32, #tpu.memory_space<vmem>>
        %dma_start3A_147 = arith.constant 0 : i32
        %dma_start3A_148 = arith.constant 0 : i32
        %dma_start3A_149 = tpu.memref_slice %arg2[%dma_start3A_147, %dma_start3A_148] : memref<100002x128xf32, #tpu.memory_space<hbm>> -> memref<100002x128xf32, #tpu.memory_space<hbm>>
        tpu.enqueue_indirect_dma source(%dma_start3A_149 : memref<100002x128xf32, #tpu.memory_space<hbm>>) target(%arg6 : memref<128x128xf32, #tpu.memory_space<vmem>>) offsets(%dma_start3A_146 : memref<128xi32, #tpu.memory_space<vmem>>) semaphore(%arg10 : memref<!tpu.dma_semaphore, #tpu.memory_space<semaphore_mem>>)
      } else {
      }
      %dma_wait3A_101 = arith.constant 0 : i32
      %dma_wait3A_102 = tpu.memref_slice %arg5[%add3A_86, %dma_wait3A_101] : memref<200x128xi32, #tpu.memory_space<vmem>> -> memref<1x128xi32, #tpu.memory_space<vmem>>
      %dma_wait3A_103 = tpu.memref_squeeze %dma_wait3A_102 : memref<1x128xi32, #tpu.memory_space<vmem>> -> memref<128xi32, #tpu.memory_space<vmem>>
      %dma_wait3A_104 = arith.constant 0 : i32
      %dma_wait3A_105 = arith.constant 0 : i32
      %dma_wait3A_106 = tpu.memref_slice %arg2[%dma_wait3A_104, %dma_wait3A_105] : memref<100002x128xf32, #tpu.memory_space<hbm>> -> memref<100002x128xf32, #tpu.memory_space<hbm>>
      tpu.wait_indirect_dma semaphore(%arg12 : memref<!tpu.dma_semaphore, #tpu.memory_space<semaphore_mem>>) src(%dma_wait3A_106 : memref<100002x128xf32, #tpu.memory_space<hbm>>) dst(%arg8 : memref<128x128xf32, #tpu.memory_space<vmem>>)
      %dma_start3A_107 = arith.constant 0 : i32
      %dma_start3A_108 = tpu.memref_slice %arg4[%add3A_86, %mul3A_2, %dma_start3A_107] : memref<200x4096x128xf32, #tpu.memory_space<hbm>> -> memref<1x128x128xf32, #tpu.memory_space<hbm>>
      %dma_start3A_109 = tpu.memref_squeeze %dma_start3A_108 : memref<1x128x128xf32, #tpu.memory_space<hbm>> -> memref<128x128xf32, #tpu.memory_space<hbm>>
      %dma_start3A_110 = arith.constant 0 : i32
      %dma_start3A_111 = tpu.memref_slice %arg4[%add3A_86, %mul3A_2, %dma_start3A_110] : memref<200x4096x128xf32, #tpu.memory_space<hbm>> -> memref<1x128x128xf32, #tpu.memory_space<hbm>>
      %dma_start3A_112 = tpu.memref_squeeze %dma_start3A_111 : memref<1x128x128xf32, #tpu.memory_space<hbm>> -> memref<128x128xf32, #tpu.memory_space<hbm>>
      tpu.enqueue_dma source(%arg8 : memref<128x128xf32, #tpu.memory_space<vmem>>) target(%dma_start3A_112 : memref<128x128xf32, #tpu.memory_space<hbm>>) target_semaphore(%arg16 : memref<!tpu.dma_semaphore, #tpu.memory_space<semaphore_mem>>)
      %add3A_113 = arith.constant 3 : i32
      %add3A_114 = arith.addi %mul3A_36, %add3A_113 : i32
      %sub3A_115 = arith.constant 2 : i32
      %sub3A_116 = arith.subi %add3A_114, %sub3A_115 : i32
      %dma_wait3A_117 = arith.constant 0 : i32
      %dma_wait3A_118 = tpu.memref_slice %arg4[%sub3A_116, %mul3A_2, %dma_wait3A_117] : memref<200x4096x128xf32, #tpu.memory_space<hbm>> -> memref<1x128x128xf32, #tpu.memory_space<hbm>>
      %dma_wait3A_119 = tpu.memref_squeeze %dma_wait3A_118 : memref<1x128x128xf32, #tpu.memory_space<hbm>> -> memref<128x128xf32, #tpu.memory_space<hbm>>
      %dma_wait3A_120 = arith.constant 0 : i32
      %dma_wait3A_121 = tpu.memref_slice %arg4[%sub3A_116, %mul3A_2, %dma_wait3A_120] : memref<200x4096x128xf32, #tpu.memory_space<hbm>> -> memref<1x128x128xf32, #tpu.memory_space<hbm>>
      %dma_wait3A_122 = tpu.memref_squeeze %dma_wait3A_121 : memref<1x128x128xf32, #tpu.memory_space<hbm>> -> memref<128x128xf32, #tpu.memory_space<hbm>>
      tpu.wait_dma2 semaphore(%arg15 : memref<!tpu.dma_semaphore, #tpu.memory_space<semaphore_mem>>) src(%arg7 : memref<128x128xf32, #tpu.memory_space<vmem>>) dst(%dma_wait3A_122 : memref<128x128xf32, #tpu.memory_space<hbm>>)
      %add3A_123 = arith.constant 2 : i32
      %add3A_124 = arith.addi %add3A_114, %add3A_123 : i32
      %lt3A_125 = arith.constant 200 : i32
      %lt3A_126 = arith.cmpi slt, %add3A_124, %lt3A_125 : i32
      %convert_element_type3A_127 = arith.extui %lt3A_126 : i1 to i32
      %cond3A_128 = arith.constant 0 : i32
      %cond3A_129 = arith.cmpi ne, %convert_element_type3A_127, %cond3A_128 : i32
      scf.if %cond3A_129 {
        %add3A_142 = arith.constant 2 : i32
        %add3A_143 = arith.addi %add3A_114, %add3A_142 : i32
        %dma_start3A_144 = arith.constant 0 : i32
        %dma_start3A_145 = tpu.memref_slice %arg5[%add3A_143, %dma_start3A_144] : memref<200x128xi32, #tpu.memory_space<vmem>> -> memref<1x128xi32, #tpu.memory_space<vmem>>
        %dma_start3A_146 = tpu.memref_squeeze %dma_start3A_145 : memref<1x128xi32, #tpu.memory_space<vmem>> -> memref<128xi32, #tpu.memory_space<vmem>>
        %dma_start3A_147 = arith.constant 0 : i32
        %dma_start3A_148 = arith.constant 0 : i32
        %dma_start3A_149 = tpu.memref_slice %arg2[%dma_start3A_147, %dma_start3A_148] : memref<100002x128xf32, #tpu.memory_space<hbm>> -> memref<100002x128xf32, #tpu.memory_space<hbm>>
        tpu.enqueue_indirect_dma source(%dma_start3A_149 : memref<100002x128xf32, #tpu.memory_space<hbm>>) target(%arg7 : memref<128x128xf32, #tpu.memory_space<vmem>>) offsets(%dma_start3A_146 : memref<128xi32, #tpu.memory_space<vmem>>) semaphore(%arg11 : memref<!tpu.dma_semaphore, #tpu.memory_space<semaphore_mem>>)
      } else {
      }
      %dma_wait3A_130 = arith.constant 0 : i32
      %dma_wait3A_131 = tpu.memref_slice %arg5[%add3A_114, %dma_wait3A_130] : memref<200x128xi32, #tpu.memory_space<vmem>> -> memref<1x128xi32, #tpu.memory_space<vmem>>
      %dma_wait3A_132 = tpu.memref_squeeze %dma_wait3A_131 : memref<1x128xi32, #tpu.memory_space<vmem>> -> memref<128xi32, #tpu.memory_space<vmem>>
      %dma_wait3A_133 = arith.constant 0 : i32
      %dma_wait3A_134 = arith.constant 0 : i32
      %dma_wait3A_135 = tpu.memref_slice %arg2[%dma_wait3A_133, %dma_wait3A_134] : memref<100002x128xf32, #tpu.memory_space<hbm>> -> memref<100002x128xf32, #tpu.memory_space<hbm>>
      tpu.wait_indirect_dma semaphore(%arg13 : memref<!tpu.dma_semaphore, #tpu.memory_space<semaphore_mem>>) src(%dma_wait3A_135 : memref<100002x128xf32, #tpu.memory_space<hbm>>) dst(%arg9 : memref<128x128xf32, #tpu.memory_space<vmem>>)
      %dma_start3A_136 = arith.constant 0 : i32
      %dma_start3A_137 = tpu.memref_slice %arg4[%add3A_114, %mul3A_2, %dma_start3A_136] : memref<200x4096x128xf32, #tpu.memory_space<hbm>> -> memref<1x128x128xf32, #tpu.memory_space<hbm>>
      %dma_start3A_138 = tpu.memref_squeeze %dma_start3A_137 : memref<1x128x128xf32, #tpu.memory_space<hbm>> -> memref<128x128xf32, #tpu.memory_space<hbm>>
      %dma_start3A_139 = arith.constant 0 : i32
      %dma_start3A_140 = tpu.memref_slice %arg4[%add3A_114, %mul3A_2, %dma_start3A_139] : memref<200x4096x128xf32, #tpu.memory_space<hbm>> -> memref<1x128x128xf32, #tpu.memory_space<hbm>>
      %dma_start3A_141 = tpu.memref_squeeze %dma_start3A_140 : memref<1x128x128xf32, #tpu.memory_space<hbm>> -> memref<128x128xf32, #tpu.memory_space<hbm>>
      tpu.enqueue_dma source(%arg9 : memref<128x128xf32, #tpu.memory_space<vmem>>) target(%dma_start3A_141 : memref<128x128xf32, #tpu.memory_space<hbm>>) target_semaphore(%arg17 : memref<!tpu.dma_semaphore, #tpu.memory_space<semaphore_mem>>)
    }
    %scan3A_20 = arith.constant 50 : i32
    %dma_wait3A = arith.constant 198 : i32
    %dma_wait3A_21 = arith.constant 0 : i32
    %dma_wait3A_22 = tpu.memref_slice %arg4[%dma_wait3A, %mul3A_2, %dma_wait3A_21] : memref<200x4096x128xf32, #tpu.memory_space<hbm>> -> memref<1x128x128xf32, #tpu.memory_space<hbm>>
    %dma_wait3A_23 = tpu.memref_squeeze %dma_wait3A_22 : memref<1x128x128xf32, #tpu.memory_space<hbm>> -> memref<128x128xf32, #tpu.memory_space<hbm>>
    %dma_wait3A_24 = arith.constant 0 : i32
    %dma_wait3A_25 = tpu.memref_slice %arg4[%dma_wait3A, %mul3A_2, %dma_wait3A_24] : memref<200x4096x128xf32, #tpu.memory_space<hbm>> -> memref<1x128x128xf32, #tpu.memory_space<hbm>>
    %dma_wait3A_26 = tpu.memref_squeeze %dma_wait3A_25 : memref<1x128x128xf32, #tpu.memory_space<hbm>> -> memref<128x128xf32, #tpu.memory_space<hbm>>
    tpu.wait_dma2 semaphore(%arg16 : memref<!tpu.dma_semaphore, #tpu.memory_space<semaphore_mem>>) src(%arg8 : memref<128x128xf32, #tpu.memory_space<vmem>>) dst(%dma_wait3A_26 : memref<128x128xf32, #tpu.memory_space<hbm>>)
    %dma_wait3A_27 = arith.constant 199 : i32
    %dma_wait3A_28 = arith.constant 0 : i32
    %dma_wait3A_29 = tpu.memref_slice %arg4[%dma_wait3A_27, %mul3A_2, %dma_wait3A_28] : memref<200x4096x128xf32, #tpu.memory_space<hbm>> -> memref<1x128x128xf32, #tpu.memory_space<hbm>>
    %dma_wait3A_30 = tpu.memref_squeeze %dma_wait3A_29 : memref<1x128x128xf32, #tpu.memory_space<hbm>> -> memref<128x128xf32, #tpu.memory_space<hbm>>
    %dma_wait3A_31 = arith.constant 0 : i32
    %dma_wait3A_32 = tpu.memref_slice %arg4[%dma_wait3A_27, %mul3A_2, %dma_wait3A_31] : memref<200x4096x128xf32, #tpu.memory_space<hbm>> -> memref<1x128x128xf32, #tpu.memory_space<hbm>>
    %dma_wait3A_33 = tpu.memref_squeeze %dma_wait3A_32 : memref<1x128x128xf32, #tpu.memory_space<hbm>> -> memref<128x128xf32, #tpu.memory_space<hbm>>
    tpu.wait_dma2 semaphore(%arg17 : memref<!tpu.dma_semaphore, #tpu.memory_space<semaphore_mem>>) src(%arg9 : memref<128x128xf32, #tpu.memory_space<vmem>>) dst(%dma_wait3A_33 : memref<128x128xf32, #tpu.memory_space<hbm>>)
    return
  }
}

</mosaic_0001>

<sc_bundles>
// kernel: kernel.3.cloned.1.call-start
scs
__scs_entry_jumppad:
0x0: {  	(pc) =	sbr.rel $0x88, $3  }
0x1: {  	(tag) =	ssettag $0x0;
	lr =	simm.s32 $0x1  }
0x2: {  	[smem:$0x3F9E] =	sst lr;
	_ =	strace $0xD0000000  }
0x3: {  	_ = 	snop  }
0x4: {  	_ = 	snop  }
0x5: {  	_ = 	snop  }
0x6: {  	_ = 	snop  }
0x7: {  	_ = 	snop  }
__scs_overlays_trampoline_lowered:
0x8: {  	[smem:$0x3FAD] =	sst s0  }
0x9: {  	[smem:$0x3FAE] =	sst s1  }
0xa: {  	[smem:$0x3FAF] =	sst s2  }
0xb: {  	[smem:$0x3FB0] =	sst s3  }
0xc: {  	[smem:$0x3FB1] =	sst s4  }
0xd: {  	[smem:$0x3FB2] =	sst s5  }
0xe: {  	[smem:$0x3FB3] =	sst s6  }
0xf: {  	[smem:$0x3FB4] =	sst s7  }
0x10: {  	[smem:$0x3FB5] =	sst s8  }
0x11: {  	[smem:$0x3FB6] =	sst s9;
	s0 =	simm.s32 @!p0 $0x0  }
0x12: {  	s1 =	sld [smem:$0x3F9C];
	s0 =	simm.s32 @p0 $0x1  }
0x13: {  	[smem:$0x3FB7] =	sst s0;
	s0 =	simm.s32 @!p1 $0x0  }
0x14: {  	s2 =	sld [smem:$0x3F9B];
	s0 =	simm.s32 @p1 $0x1  }
0x15: {  	[smem:$0x3FB8] =	sst s0;
	s0 =	simm.s32 @!p2 $0x0  }
0x16: {  	s3 =	sld [smem:$0x3FDB];
	s0 =	simm.s32 @p2 $0x1  }
0x17: {  	s4 =	simm.s32 $0x1BF5;
	[smem:$0x3FBA] =	sst s0  }
0x18: {  	s0 =	sld [smem:$0x3F9D];
	_ =	swait.ge [sflag:s4], $0x0  }
0x19: {  	s7 =	sld [smem:$0x3F9E]  }
0x1a: {  	s8 =	sadd.s32 $0xFFFFE003, lr  }
0x1b: {  	s9 =	sadd.s32 $0xFFFFFEF7, lr;
	s5 =	simm.s32 $0xFFFFFFFF;
	p2 =	slt.u32 s8, $0xFFFFF086  }
0x1c: {  	p1 =	slt.u32 s9, $0xF7A;
	s5 =	simm.s32 @!p2 $0x0  }
0x1d: {  	s5 =	simm.s32 @p1 $0x1;
	p0 =	seq.s32 s7, s2  }
0x1e: {  	s7 =	smul.u32 @!p0 $0xF7A, s2;
	p2 =	seq.s32 @!p0 s5, $0x0  }
0x1f: {  	s9 =	smul.u32 $0xF7A, s1;
	s8 =	simm.s32 @!p0 $0x1BF5;
	p2 =	por !p2, p0  }
0x20: {  	[sflag:s8] =	ssyncset.s32 @!p0 $0xFFFFF086;
	s6 =	sadd.s32 @!p0 s3, s7;
	s7 =	simm.s32 @!p0 $0x108  }
0x21: {  	s3 =	sadd.s32 s3, s9;
	s6 =	sadd.s32 @!p0 $0x88, s6;
	s7 =	simm.s32 @p2 $0x1082  }
0x22: {  	[simem:s7], [sflag:s8] =	dma.local @!p0 [hbm:s6], $0xF7A  }
0x23: {  	s9 =	sor.u32 $0xD0000000, s2;
	s6 =	simm.s32 $0x108;
	_ =	swait.ge @!p0 [sflag:s8], $0x0  }
0x24: {  	s3 =	sadd.s32 $0x88, s3;
	s6 =	simm.s32 @!p1 $0x1082;
	[sflag:s4] =	ssyncset.s32 $0xFFFFF086  }
0x25: {  	[simem:s6], [sflag:s4] =	dma.local [hbm:s3], $0xF7A  }
0x26: {  	[smem:$0x3F9E] =	sst s1;
	(tag) =	ssettag s2;
	_ =	strace s9  }
0x27: {  	s1 =	sld [smem:$0x3FAE]  }
0x28: {  	s2 =	sld [smem:$0x3FAF]  }
0x29: {  	s4 =	sld [smem:$0x3FB1]  }
0x2a: {  	p0 =	seq.s32 s5, $0x0;
	s5 =	sld [smem:$0x3FB2]  }
0x2b: {  	s6 =	sld [smem:$0x3FB3]  }
0x2c: {  	s7 =	sld [smem:$0x3FB4]  }
0x2d: {  	s3 =	simm.s32 $0x108;
	s8 =	sld [smem:$0x3FB5]  }
0x2e: {  	s3 =	simm.s32 @!p0 $0x1082;
	s9 =	sld [smem:$0x3FB6]  }
0x2f: {  	lr =	sadd.s32 s0, s3;
	s0 =	sld [smem:$0x3FAD]  }
0x30: {  	s3 =	sld [smem:$0x3FB0]  }
0x31: {  	[smem:$0x3FB9] =	sst s10  }
0x32: {  	s10 =	sld [smem:$0x3FB7];
	_ =	sdelay $0x3  }
0x33: {  	p0 =	seq.s32 s10, $0x1;
	s10 =	sld [smem:$0x3FB9];
	_ =	sdelay $0x3  }
0x34: {  	[smem:$0x3FB9] =	sst s10  }
0x35: {  	s10 =	sld [smem:$0x3FB8];
	_ =	sdelay $0x3  }
0x36: {  	p1 =	seq.s32 s10, $0x1;
	s10 =	sld [smem:$0x3FB9];
	_ =	sdelay $0x3  }
0x37: {  	[smem:$0x3FB9] =	sst s10  }
0x38: {  	s10 =	sld [smem:$0x3FBA]  }
0x39: {  	_ = 	snop;
	(pc) =	sbr.ind lr, $3  }
0x3a: {  	_ = 	snop  }
0x3b: {  	_ = 	snop  }
0x3c: {  	p2 =	seq.s32 s10, $0x1;
	s10 =	sld [smem:$0x3FB9]  }
0x3d: {  	_ =	shalt  }
0x3e: {  	_ =	shalt  }
0x3f: {  	_ =	shalt  }
0x40: {  	_ =	shalt  }
0x41: {  	_ =	shalt  }
0x42: {  	_ =	shalt  }
0x43: {  	_ =	shalt  }
0x44: {  	_ =	shalt  }
0x45: {  	_ =	shalt  }
0x46: {  	_ =	shalt  }
0x47: {  	_ =	shalt  }
0x48: {  	_ =	shalt  }
0x49: {  	_ =	shalt  }
0x4a: {  	_ =	shalt  }
0x4b: {  	_ =	shalt  }
0x4c: {  	_ =	shalt  }
0x4d: {  	_ =	shalt  }
0x4e: {  	_ =	shalt  }
0x4f: {  	_ =	shalt  }
0x50: {  	_ =	shalt  }
0x51: {  	_ =	shalt  }
0x52: {  	_ =	shalt  }
0x53: {  	_ =	shalt  }
0x54: {  	_ =	shalt  }
0x55: {  	_ =	shalt  }
0x56: {  	_ =	shalt  }
0x57: {  	_ =	shalt  }
0x58: {  	_ =	shalt  }
0x59: {  	_ =	shalt  }
0x5a: {  	_ =	shalt  }
0x5b: {  	_ =	shalt  }
0x5c: {  	_ =	shalt  }
0x5d: {  	_ =	shalt  }
0x5e: {  	_ =	shalt  }
0x5f: {  	_ =	shalt  }
0x60: {  	_ =	shalt  }
0x61: {  	_ =	shalt  }
0x62: {  	_ =	shalt  }
0x63: {  	_ =	shalt  }
0x64: {  	_ =	shalt  }
0x65: {  	_ =	shalt  }
0x66: {  	_ =	shalt  }
0x67: {  	_ =	shalt  }
0x68: {  	_ =	shalt  }
0x69: {  	_ =	shalt  }
0x6a: {  	_ =	shalt  }
0x6b: {  	_ =	shalt  }
0x6c: {  	_ =	shalt  }
0x6d: {  	_ =	shalt  }
0x6e: {  	_ =	shalt  }
0x6f: {  	_ =	shalt  }
0x70: {  	_ =	shalt  }
0x71: {  	_ =	shalt  }
0x72: {  	_ =	shalt  }
0x73: {  	_ =	shalt  }
0x74: {  	_ =	shalt  }
0x75: {  	_ =	shalt  }
0x76: {  	_ =	shalt  }
0x77: {  	_ =	shalt  }
0x78: {  	_ =	shalt  }
0x79: {  	_ =	shalt  }
0x7a: {  	_ =	shalt  }
0x7b: {  	_ =	shalt  }
0x7c: {  	_ =	shalt  }
0x7d: {  	_ =	shalt  }
0x7e: {  	_ =	shalt  }
0x7f: {  	_ =	shalt  }
0x80: {  	_ =	shalt  }
0x81: {  	_ =	shalt  }
0x82: {  	_ =	shalt  }
0x83: {  	_ =	shalt  }
0x84: {  	_ =	shalt  }
0x85: {  	_ =	shalt  }
0x86: {  	_ =	shalt  }
0x87: {  	_ =	shalt  }
.Lfunc_end0:
.L_simem_size_0:
called_computation.1_lowered:
.L_overlay_start_0:
0x88: {  	s2 =	sld [smem:$0x3FD9]  }
0x89: {  	s3 =	sld [smem:$0x3FFE];
	_ =	sdelay $0x1  }
0x8a: {  	s1 =	srdreg.scid  }
0x8b: {  	s0 =	sand.u32 $0x1, s1  }
0x8c: {  	s17 =	sshll.u32 s0, $0xA;
	s2 =	sadd.s32 s3, s2  }
0x8d: {  	s2 =	sadd.s32 s2, s17  }
0x8e: {  	[smem:$0x3FC5] =	sst s2  }
0x8f: {  	_ = 	snop  }
0x90: {  	s2 =	sld [smem:$0x3FC9];
	(tm) =	ssettm $0x1  }
0x91: {  	s18 =	sld [smem:$0x3FFB];
	_ =	sdelay $0x3  }
0x92: {  	_ =	strace s18  }
0x93: {  	s3 =	sld [smem:$0x3FFC];
	_ =	sdelay $0x3  }
0x94: {  	_ =	strace s3  }
0x95: {  	s3 =	sld [smem:$0x3FFD];
	_ =	sdelay $0x3  }
0x96: {  	_ =	strace s3  }
0x97: {  	_ =	strace $0x8FFFFFFF  }
0x98: {  	s19 =	sld [smem:$0x3FDB];
	_ =	sdelay $0x1  }
0x99: {  	s4 =	simm.s32 $_scs_section_size  }
0x9a: {  	s5 =	simm.s32 $_size__tile_overlayer_lowered;
	s6 =	simm.s32 $_tile_overlayer_lowered  }
0x9b: {  	s22 =	simm.s32 $0x1BFF;
	s21 =	sshll.u32 s6, $0x1;
	s3 =	sadd.s32 s4, s19  }
0x9c: {  	s7 =	simm.s32 $0x0;
	s20 =	sshll.u32 s5, $0x1;
	s5 =	sadd.s32 s21, s3  }
0x9d: {  	[timem:s7], [sflag:s22] =	dma.local [hbm:s5], s20  }
0x9e: {  	_ =	swait.ge [sflag:s22], s20  }
0x9f: {  	s4 =	ssub.s32 $0x0, s20;
	[sflag:s22] =	ssyncset.done $0x0  }
0xa0: {  	[sflag:s22] =	ssyncadd.s32 s4;
	_ =	sdelay $0x1  }
0xa1: {  	s23 =	simm.s32 $0x1B8B  }
0xa2: {  	_ =	swait.ge [sflag:s23], $0x1  }
0xa3: {  	[sflag:s23] =	ssyncset.done $0x0  }
0xa4: {  	s25 =	simm.s32 $0x1B8E;
	s24 =	sld [smem:$0x3FFE];
	[sflag:s23] =	ssyncadd.s32 $0xFFFFFFFF  }
0xa5: {  	s26 =	simm.s32 $execute0_lowered;
	[smem:$0x3FD2] =	sst s25  }
0xa6: {  	s5 =	sshll.u32 s26, $0x1;
	_ =	strace $0x80000046;
	[dreg:$0x1] =	wrdreg $0xFFFFFFFF  }
0xa7: {  	s28 =	simm.s32 $_size_execute0_lowered;
	s3 =	sadd.s32 s3, s5;
	[dreg:$0x0] =	wrdreg $0x0  }
0xa8: {  	s5 =	sshll.u32 s28, $0x1;
	[dreg:$0x2] =	wrdreg s3  }
0xa9: {  	[dreg:$0x3] =	wrdreg s5  }
0xaa: {  	[dreg:$0x4] =	wrdreg $0xC0  }
0xab: {  	_ =	task [dreg:s7], $0x5FFFF  }
0xac: {  	[dreg:$0x1] =	wrdreg $0xFFFFFFFF  }
0xad: {  	[dreg:$0x0] =	wrdreg $0x60  }
0xae: {  	[dreg:$0x2] =	wrdreg s24  }
0xaf: {  	[dreg:$0x3] =	wrdreg s2  }
0xb0: {  	[dreg:$0x4] =	wrdreg $0x9  }
0xb1: {  	_ =	task.clear_ibuf [dreg:s7], $0x5FFFF;
	_ =	strace $0x90000046  }
0xb2: {  	s29 =	simm.s32 $0x9;
	_ =	strace $0x80000048  }
0xb3: {  	_ =	swait.ge [sflag:s29], $0x1  }
0xb4: {  	[sflag:s29] =	ssyncadd.s32 $0xFFFFFFFF  }
0xb5: {  	_ =	strace $0x90000048  }
0xb6: {  	_ =	sfence  }
0xb7: {  	s30 =	sld [smem:$0x0];
	_ =	sdelay $0x2  }
0xb8: {  	s31 =	sshll.u32 s1, $0xD;
	s1 =	sshrl.u32 s1, $0x2  }
0xb9: {  	s3 =	sand.u32 $0x4000, s31;
	s1 =	sadd.s32 s1, s30  }
0xba: {  	s0 =	sor.u32 s3, s0;
	s1 =	sshll.u32 s1, $0x11  }
0xbb: {  	s0 =	sor.u32 s1, s0  }
0xbc: {  	s0 =	sadd.s32 $0x8F2B, s0  }
0xbd: {  	[sflag:s0] =	ssyncadd.remote.s32 $0x1  }
0xbe: {  	_ =	sfence.sel $0xFFFF  }
0xbf: {  	[dreg:$0x0] =	wrdreg $0xFFFFFFFF;
	(pc) =	sbr.abs _section_cstart, $3  }
0xc0: {  	[dreg:$0x1] =	wrdreg $0xFFFFFFFF  }
0xc1: {  	_ =	task.clear_ibuf [dreg:s7], $0x2FFFF;
	_ =	strace $0x9FFFFFFF  }
0xc2: {  	(tm) =	ssettm $0x7FFFFFFF  }
0xc3: {  	_ =	shalt  }
tec
execute0_lowered:
.L_overlay_start_1:
0x0: {  	(tag) =	ssettag $0x1  }
0x1: {  	s0 =	rddreg [dreg:$0x0]  }
0x2: {  	s4 =	rddreg [dreg:$0x1]  }
0x3: {  	s1 =	simm.s32 $0x0;
	s2 =	srdreg.scid;
	s23 =	stileid.u32  }
0x4: {  	s11 =	simm.s32 $0x9;
	s12 =	simm.s32 $0x80;
	s13 =	simm.s32 $0x6400  }
0x5: {  	s14 =	simm.s32 $0xA400;
	s15 =	simm.s32 $0xE400;
	s16 =	simm.s32 $0x1  }
0x6: {  	s17 =	simm.s32 $0x12400;
	s18 =	simm.s32 $0x2;
	s19 =	simm.s32 $0x5  }
0x7: {  	s20 =	simm.s32 $0x3;
	s21 =	simm.s32 $0x6;
	s22 =	simm.s32 $0x4  }
0x8: {  	[smem:$0x7FF] =	sst s1;
	s3 =	sadd.s32 $0xA00, s0;
	s5 =	sand.u32 $0x1, s2  }
0x9: {  	s7 =	sadd.s32 $0x187600, s0;
	s8 =	sshll.u32 s23, $0x8;
	s25 =	sshll.u32 s23, $0xF  }
0xa: {  	s23 =	simm.s32 $0x7;
	_ =	strace $0x80000047;
	s24 =	ssub.s32 $0x2, s5  }
0xb: {  	s9 =	sshll.u32 s5, $0x7;
	s5 =	sshll.u32 s5, $0xE;
	s6 =	sshrl.u32 s24, $0x1  }
0xc: {  	s8 =	sor.u32 s9, s8;
	s28 =	sor.u32 s5, s25;
	s25 =	simm.s32 $0x0  }
0xd: {  	s0 =	ssub.s32 s24, s6;
	s26 =	sadd.s32 s4, s8;
	s29 =	sshrl.u32 s28, $0x3  }
0xe: {  	s30 =	sor.u32 $0x180000, s28;
	s9 =	sor.u32 $0x100000, s28;
	s24 =	simm.s32 $0x8  }
0xf: {  	[dreg:$0x3] =	wrdreg s26;
	s0 =	smax.u32 s0, $0x1;
	s8 =	sshrl.u32 s30, $0x3  }
0x10: {  	s31 =	sshrl.u32 s9, $0x3;
	[dreg:$0x4] =	wrdreg s0;
	s0 =	sadd.s32 s29, s7  }
0x11: {  	s6 =	sadd.s32 $0x10000, s0;
	s0 =	sadd.s32 s8, s7;
	s8 =	sadd.s32 s31, s7  }
.LBB2_1:
0x12: {  	s2 =	rddreg [dreg:$0x3];
	s4 =	simm.s32 $0x400;
	s5 =	simm.s32 $0x8000  }
0x13: {  	[tilespmem:s1], [sflag:$0x9] =	stream.strided.gather [hbm4b:s2+s4], $0x6400, s5, s4, $0x38;
	[tilespmem:$0x16400] =	vst v63  }
0x14: {  	_ =	swait.ge [sflag:s11], $0x6400  }
0x15: {  	[sflag:s11] =	ssyncset.done $0x0  }
0x16: {  	p0 =	por $0x1, $0x1;
	[sflag:s11] =	ssyncadd.s32 $0xFFFF9C00  }
0x17: {  	[tilespmem:s13], [sflag:$0x1] =	stream.indirect.gather [hbm4b:s3+s12], $0x80, s1, s12, $0xb8;
	[tilespmem:$0x16400] =	vst v63  }
0x18: {  	s7 =	simm.s32 @!p0 $0x7  }
0x19: {  	[tilespmem:s14], [sflag:$0x2] =	stream.indirect.gather [hbm4b:s3+s12], $0x80, s12, s12, $0xb8;
	[tilespmem:$0x16400] =	vst v63  }
0x1a: {  	_ =	swait.ge @!p0 [sflag:s7], $0x4000  }
0x1b: {  	[sflag:s7] =	ssyncset.done @!p0 $0x0  }
0x1c: {  	s9 =	simm.s32 $0x100;
	[sflag:s7] =	ssyncadd.s32 @!p0 $0xFFFFC000  }
0x1d: {  	[tilespmem:s15], [sflag:$0x3] =	stream.indirect.gather [hbm4b:s3+s12], $0x80, s9, s12, $0xb8;
	[tilespmem:$0x16400] =	vst v63  }
0x1e: {  	_ =	swait.ge [sflag:s16], $0x4000  }
0x1f: {  	[sflag:s16] =	ssyncset.done $0x0  }
0x20: {  	s10 =	sadd.s32 $0xFFFF0000, s6;
	s26 =	simm.s32 @!p0 $0x8;
	[sflag:s16] =	ssyncadd.s32 $0xFFFFC000  }
0x21: {  	[hbm4b:s10+s1] =	stream.linear.scatter [tilespmem:s13], [sflag:$0x5], $0x4000, $0x38;
	[tilespmem:$0x16400] =	vst v63  }
0x22: {  	_ =	swait.ge @!p0 [sflag:s26], $0x4000  }
0x23: {  	[sflag:s26] =	ssyncset.done @!p0 $0x0  }
0x24: {  	[sflag:s26] =	ssyncadd.s32 @!p0 $0xFFFFC000;
	s26 =	simm.s32 $0x180  }
0x25: {  	[tilespmem:s17], [sflag:$0x4] =	stream.indirect.gather [hbm4b:s3+s12], $0x80, s26, s12, $0xb8;
	[tilespmem:$0x16400] =	vst v63  }
0x26: {  	_ =	swait.ge [sflag:s18], $0x4000  }
0x27: {  	[sflag:s18] =	ssyncset.done $0x0  }
0x28: {  	[sflag:s18] =	ssyncadd.s32 $0xFFFFC000  }
0x29: {  	[hbm4b:s6+s1] =	stream.linear.scatter [tilespmem:s14], [sflag:$0x6], $0x4000, $0x38;
	[tilespmem:$0x16400] =	vst v63  }
0x2a: {  	p0 =	por $0x0, $0x0;
	_ =	swait.ge [sflag:s19], $0x4000  }
0x2b: {  	s7 =	simm.s32 @!p0 $0x6400;
	[sflag:s19] =	ssyncset.done $0x0  }
0x2c: {  	s26 =	simm.s32 @!p0 $0x200;
	s28 =	simm.s32 @!p0 $0x80;
	[sflag:s19] =	ssyncadd.s32 $0xFFFFC000  }
0x2d: {  	[tilespmem:s7], [sflag:$0x1] =	stream.indirect.gather @!p0 [hbm4b:s3+s28], $0x80, s26, s28, $0xb8;
	[tilespmem:$0x16400] =	vst v63  }
0x2e: {  	_ =	swait.ge [sflag:s20], $0x4000  }
0x2f: {  	[sflag:s20] =	ssyncset.done $0x0  }
0x30: {  	[sflag:s20] =	ssyncadd.s32 $0xFFFFC000  }
0x31: {  	[hbm4b:s8+s1] =	stream.linear.scatter [tilespmem:s15], [sflag:$0x7], $0x4000, $0x38;
	[tilespmem:$0x16400] =	vst v63  }
0x32: {  	s29 =	simm.s32 $0x800;
	_ =	swait.ge [sflag:s21], $0x4000  }
0x33: {  	s31 =	simm.s32 $0x1000;
	p1 =	por $0x0, $0x0;
	[sflag:s21] =	ssyncset.done $0x0  }
0x34: {  	s7 =	simm.s32 @!p0 $0x280;
	s26 =	simm.s32 @!p0 $0xA400;
	[sflag:s21] =	ssyncadd.s32 $0xFFFFC000  }
0x35: {  	[tilespmem:s26], [sflag:$0x2] =	stream.indirect.gather @!p0 [hbm4b:s3+s28], $0x80, s7, s28, $0xb8;
	[tilespmem:$0x16400] =	vst v63  }
0x36: {  	s30 =	sadd.s32 $0x40000, s6;
	s26 =	sadd.s32 $0x40000, s0;
	_ =	swait.ge [sflag:s22], $0x4000  }
0x37: {  	s28 =	sadd.s32 $0x40000, s8;
	s7 =	smov.u32 s0;
	[sflag:s22] =	ssyncset.done $0x0  }
.LBB2_2:
0x38: {  	s2 =	simm.s32 @!p1 $0x7  }
0x39: {  	[sflag:s22] =	ssyncadd.s32 $0xFFFFC000;
	s9 =	smov.u32 s31;
	s31 =	sadd.s32 $0x800, s31  }
0x3a: {  	[hbm4b:s7+s1] =	stream.linear.scatter [tilespmem:s17], [sflag:$0x8], $0x4000, $0x38;
	[tilespmem:$0x16400] =	vst v63  }
0x3b: {  	p0 =	sne.s32 s31, $0x19000;
	s7 =	smov.u32 s26;
	_ =	swait.ge @!p1 [sflag:s2], $0x4000  }
0x3c: {  	s10 =	sshra.s32 s29, $0x2;
	[sflag:s2] =	ssyncset.done @!p1 $0x0  }
0x3d: {  	[sflag:s2] =	ssyncadd.s32 @!p1 $0xFFFFC000;
	s2 =	sadd.s32 $0x100, s10  }
0x3e: {  	[tilespmem:s15], [sflag:$0x3] =	stream.indirect.gather [hbm4b:s3+s12], $0x80, s2, s12, $0xb8;
	[tilespmem:$0x16400] =	vst v63  }
0x3f: {  	_ =	swait.ge [sflag:s16], $0x4000  }
0x40: {  	[sflag:s16] =	ssyncset.done $0x0  }
0x41: {  	s4 =	simm.s32 @!p1 $0x8;
	s2 =	sadd.s32 $0xFFFF0000, s30;
	[sflag:s16] =	ssyncadd.s32 $0xFFFFC000  }
0x42: {  	[hbm4b:s2+s1] =	stream.linear.scatter [tilespmem:s13], [sflag:$0x5], $0x4000, $0x38;
	[tilespmem:$0x16400] =	vst v63  }
0x43: {  	_ =	swait.ge @!p1 [sflag:s4], $0x4000  }
0x44: {  	[sflag:s4] =	ssyncset.done @!p1 $0x0  }
0x45: {  	s2 =	sadd.s32 $0x180, s10;
	[sflag:s4] =	ssyncadd.s32 @!p1 $0xFFFFC000  }
0x46: {  	[tilespmem:s17], [sflag:$0x4] =	stream.indirect.gather [hbm4b:s3+s12], $0x80, s2, s12, $0xb8;
	[tilespmem:$0x16400] =	vst v63  }
0x47: {  	_ =	swait.ge [sflag:s18], $0x4000  }
0x48: {  	[sflag:s18] =	ssyncset.done $0x0  }
0x49: {  	[sflag:s18] =	ssyncadd.s32 $0xFFFFC000  }
0x4a: {  	[hbm4b:s30+s1] =	stream.linear.scatter [tilespmem:s14], [sflag:$0x6], $0x4000, $0x38;
	[tilespmem:$0x16400] =	vst v63  }
0x4b: {  	p1 =	seq.s32 s29, $0x18800;
	_ =	swait.ge [sflag:s19], $0x4000  }
0x4c: {  	s2 =	sshra.s32 @!p1 s29, $0x2;
	s4 =	simm.s32 @!p1 $0x6400;
	[sflag:s19] =	ssyncset.done $0x0  }
0x4d: {  	s5 =	simm.s32 @!p1 $0x80;
	s10 =	sadd.s32 @!p1 $0x200, s2;
	[sflag:s19] =	ssyncadd.s32 $0xFFFFC000  }
0x4e: {  	[tilespmem:s4], [sflag:$0x1] =	stream.indirect.gather @!p1 [hbm4b:s3+s5], $0x80, s10, s5, $0xb8;
	[tilespmem:$0x16400] =	vst v63  }
0x4f: {  	s29 =	smov.u32 s9;
	s2 =	sadd.s32 @!p1 $0x280, s2;
	_ =	swait.ge [sflag:s20], $0x4000  }
0x50: {  	[sflag:s20] =	ssyncset.done $0x0  }
0x51: {  	[sflag:s20] =	ssyncadd.s32 $0xFFFFC000  }
0x52: {  	[hbm4b:s28+s1] =	stream.linear.scatter [tilespmem:s15], [sflag:$0x7], $0x4000, $0x38;
	[tilespmem:$0x16400] =	vst v63  }
0x53: {  	_ =	swait.ge [sflag:s21], $0x4000  }
.Ltmp0:
0x54: {  	[sflag:s21] =	ssyncset.done $0x0;
	(pc) =	sbr.rel @p0 .LBB2_2-.Ltmp0, $4  }
0x55: {  	s4 =	simm.s32 @!p1 $0xA400;
	[sflag:s21] =	ssyncadd.s32 $0xFFFFC000  }
0x56: {  	[tilespmem:s4], [sflag:$0x2] =	stream.indirect.gather @!p1 [hbm4b:s3+s5], $0x80, s2, s5, $0xb8;
	[tilespmem:$0x16400] =	vst v63  }
0x57: {  	s26 =	sadd.s32 $0x40000, s26;
	s28 =	sadd.s32 $0x40000, s28;
	_ =	swait.ge [sflag:s22], $0x4000  }
0x58: {  	s30 =	sadd.s32 $0x40000, s30;
	p1 =	seq.s32 s29, $0x0;
	[sflag:s22] =	ssyncset.done $0x0  }
0x59: {  	s2 =	simm.s32 @!p1 $0x7;
	[sflag:s22] =	ssyncadd.s32 $0xFFFFC000  }
0x5a: {  	[hbm4b:s7+s1] =	stream.linear.scatter [tilespmem:s17], [sflag:$0x8], $0x4000, $0x38;
	[tilespmem:$0x16400] =	vst v63  }
0x5b: {  	_ =	swait.ge @!p1 [sflag:s2], $0x4000  }
0x5c: {  	s4 =	sshra.s32 s29, $0x2;
	[sflag:s2] =	ssyncset.done @!p1 $0x0  }
0x5d: {  	s7 =	sadd.s32 $0x100, s4;
	[sflag:s2] =	ssyncadd.s32 @!p1 $0xFFFFC000  }
0x5e: {  	[tilespmem:s15], [sflag:$0x3] =	stream.indirect.gather [hbm4b:s3+s12], $0x80, s7, s12, $0xb8;
	[tilespmem:$0x16400] =	vst v63  }
0x5f: {  	_ =	swait.ge [sflag:s16], $0x4000  }
0x60: {  	[sflag:s16] =	ssyncset.done $0x0  }
0x61: {  	s9 =	sadd.s32 $0xFFFF0000, s30;
	s5 =	simm.s32 @!p1 $0x8;
	[sflag:s16] =	ssyncadd.s32 $0xFFFFC000  }
0x62: {  	[hbm4b:s9+s1] =	stream.linear.scatter [tilespmem:s13], [sflag:$0x5], $0x4000, $0x38;
	[tilespmem:$0x16400] =	vst v63  }
0x63: {  	_ =	swait.ge @!p1 [sflag:s5], $0x4000  }
0x64: {  	[sflag:s5] =	ssyncset.done @!p1 $0x0  }
0x65: {  	s10 =	sadd.s32 $0x180, s4;
	[sflag:s5] =	ssyncadd.s32 @!p1 $0xFFFFC000  }
0x66: {  	[tilespmem:s17], [sflag:$0x4] =	stream.indirect.gather [hbm4b:s3+s12], $0x80, s10, s12, $0xb8;
	[tilespmem:$0x16400] =	vst v63  }
0x67: {  	_ =	swait.ge [sflag:s18], $0x4000  }
0x68: {  	[sflag:s18] =	ssyncset.done $0x0  }
0x69: {  	[sflag:s18] =	ssyncadd.s32 $0xFFFFC000  }
0x6a: {  	[hbm4b:s30+s1] =	stream.linear.scatter [tilespmem:s14], [sflag:$0x6], $0x4000, $0x38;
	[tilespmem:$0x16400] =	vst v63  }
0x6b: {  	p0 =	seq.s32 s29, $0x18800;
	_ =	swait.ge [sflag:s19], $0x4000  }
0x6c: {  	s4 =	simm.s32 @!p0 $0x6400;
	s2 =	sshra.s32 @!p0 s29, $0x2;
	[sflag:s19] =	ssyncset.done $0x0  }
0x6d: {  	s7 =	simm.s32 @!p0 $0x80;
	s5 =	sadd.s32 @!p0 $0x200, s2;
	[sflag:s19] =	ssyncadd.s32 $0xFFFFC000  }
0x6e: {  	[tilespmem:s4], [sflag:$0x1] =	stream.indirect.gather @!p0 [hbm4b:s3+s7], $0x80, s5, s7, $0xb8;
	[tilespmem:$0x16400] =	vst v63  }
0x6f: {  	_ =	swait.ge [sflag:s20], $0x4000  }
0x70: {  	[sflag:s20] =	ssyncset.done $0x0  }
0x71: {  	[sflag:s20] =	ssyncadd.s32 $0xFFFFC000  }
0x72: {  	[hbm4b:s28+s1] =	stream.linear.scatter [tilespmem:s15], [sflag:$0x7], $0x4000, $0x38;
	[tilespmem:$0x16400] =	vst v63  }
0x73: {  	_ =	swait.ge [sflag:s21], $0x4000  }
0x74: {  	[sflag:s21] =	ssyncset.done $0x0  }
0x75: {  	s2 =	sadd.s32 @!p0 $0x280, s2;
	s4 =	simm.s32 @!p0 $0xA400;
	[sflag:s21] =	ssyncadd.s32 $0xFFFFC000  }
0x76: {  	[tilespmem:s4], [sflag:$0x2] =	stream.indirect.gather @!p0 [hbm4b:s3+s7], $0x80, s2, s7, $0xb8;
	[tilespmem:$0x16400] =	vst v63  }
0x77: {  	_ =	swait.ge [sflag:s22], $0x4000  }
0x78: {  	[sflag:s22] =	ssyncset.done $0x0  }
0x79: {  	[sflag:s22] =	ssyncadd.s32 $0xFFFFC000  }
0x7a: {  	[hbm4b:s26+s1] =	stream.linear.scatter [tilespmem:s17], [sflag:$0x8], $0x4000, $0x38;
	[tilespmem:$0x16400] =	vst v63  }
0x7b: {  	_ =	swait.ge [sflag:s23], $0x4000  }
0x7c: {  	[sflag:s23] =	ssyncset.done $0x0  }
0x7d: {  	[sflag:s23] =	ssyncadd.s32 $0xFFFFC000  }
0x7e: {  	_ =	swait.ge [sflag:s24], $0x4000  }
0x7f: {  	s25 =	sadd.s32 $0x1, s25;
	s31 =	rddreg [dreg:$0x4]  }
0x80: {  	p0 =	sne.s32 s25, s31  }
.Ltmp1:
0x81: {  	_ = 	snop;
	(pc) =	sbr.rel @p0 .LBB2_1-.Ltmp1, $3  }
0x82: {  	_ =	sdelay $0x1  }
0x83: {  	[sflag:s24] =	ssyncset.done $0x0  }
0x84: {  	[sflag:s24] =	ssyncadd.s32 $0xFFFFC000  }
0x85: {  	_ =	sfence.sel $0x180000  }
0x86: {  	[bflag:$0x0] =	sbarrier.arrive $0xFFFF  }
0x87: {  	_ =	strace $0x90000047  }
0x88: {  	s0 =	stileid.u32;
	[bflag:$0x2] =	sbarrier.arrive $0xFFFF  }
0x89: {  	p0 =	sne.s32 s0, $0x0;
	s0 =	rddreg [dreg:$0x2]  }
0x8a: {  	s0 =	sadd.s32 @!p0 $0x100000, s0  }
0x8b: {  	[sflag:s0] =	ssyncadd.tile.s32 @!p0 $0x1;
	_ =	shalt  }
.Lfunc_end2:
_tile_overlayer_lowered:
.L_overlay_start_2:
0x8c: {  	(tag) =	ssettag $0x2  }
0x8d: {  	s0 =	rddreg [dreg:$0x0];
	s2 =	stileid.u32  }
0x8e: {  	s1 =	rddreg [dreg:$0x1];
	p0 =	sne.s32 s2, $0x0  }
0x8f: {  	s3 =	rddreg [dreg:$0x2];
	[bflag:$0x3] =	sbarrier.arrive $0xFFFF;
	s2 =	simm.s32 @!p0 $0x1C09  }
0x90: {  	[timem:s3], [sflag:s2] =	dma.local @!p0 [hbm:s0], s1  }
0x91: {  	s0 =	simm.s32 @!p0 $0x9  }
0x92: {  	_ =	swait.ge @!p0 [sflag:s0], s1  }
0x93: {  	s1 =	ssub.s32 @!p0 $0x0, s1;
	[sflag:s0] =	ssyncset.done @!p0 $0x0  }
0x94: {  	[sflag:s0] =	ssyncadd.s32 @!p0 s1  }
0x95: {  	[bflag:$0x3] =	sbarrier.arrive $0xFFFF  }
0x96: {  	_ =	shalt  }

// kernel: sparse-core-data-format-call.cloned.1.call-start
scs
called_computation_lowered:
.L_overlay_start_0:
0x0: {  	s2 =	sld [smem:$0x3FD9]  }
0x1: {  	s3 =	sld [smem:$0x3FFE];
	_ =	sdelay $0x1  }
0x2: {  	s1 =	srdreg.scid  }
0x3: {  	s0 =	sand.u32 $0x1, s1  }
0x4: {  	s15 =	sshll.u32 s0, $0xA;
	s2 =	sadd.s32 s3, s2  }
0x5: {  	s2 =	sadd.s32 s2, s15  }
0x6: {  	[smem:$0x3FC5] =	sst s2  }
0x7: {  	_ = 	snop  }
0x8: {  	s2 =	sld [smem:$0x3FD0];
	_ =	sdelay $0x2  }
0x9: {  	s16 =	simm.s32 $0xA;
	s4 =	simm.s32 $0x10  }
0xa: {  	[smem:s4], [sflag:s16] =	dma.local [hbm:s2], $0x1  }
0xb: {  	_ =	swait.eq [sflag:s16], $0x1  }
0xc: {  	[sflag:s16] =	ssyncset.done $0x0  }
0xd: {  	[sflag:s16] =	ssyncadd.s32 $0xFFFFFFFF  }
0xe: {  	s17 =	sld [smem:$0x10];
	(tm) =	ssettm $0x1  }
0xf: {  	s18 =	sld [smem:$0x3FFB];
	_ =	sdelay $0x3  }
0x10: {  	_ =	strace s18  }
0x11: {  	s3 =	sld [smem:$0x3FFC];
	_ =	sdelay $0x3  }
0x12: {  	_ =	strace s3  }
0x13: {  	s3 =	sld [smem:$0x3FFD];
	_ =	sdelay $0x3  }
0x14: {  	_ =	strace s3  }
0x15: {  	_ =	strace $0x8FFFFFFF  }
0x16: {  	s19 =	sld [smem:$0x3FDB];
	_ =	sdelay $0x1  }
0x17: {  	s20 =	simm.s32 $_scs_section_size  }
0x18: {  	s5 =	simm.s32 $_size__tile_overlayer_lowered;
	s6 =	simm.s32 $_tile_overlayer_lowered  }
0x19: {  	s23 =	simm.s32 $0x1BFF;
	s22 =	sshll.u32 s6, $0x1;
	s3 =	sadd.s32 s20, s19  }
0x1a: {  	s7 =	simm.s32 $0x0;
	s21 =	sshll.u32 s5, $0x1;
	s5 =	sadd.s32 s22, s3  }
0x1b: {  	[timem:s7], [sflag:s23] =	dma.local [hbm:s5], s21  }
0x1c: {  	_ =	swait.ge [sflag:s23], s21  }
0x1d: {  	s4 =	ssub.s32 $0x0, s21;
	[sflag:s23] =	ssyncset.done $0x0  }
0x1e: {  	[sflag:s23] =	ssyncadd.s32 s4;
	_ =	sdelay $0x1  }
0x1f: {  	s24 =	simm.s32 $0x1B8B  }
0x20: {  	_ =	swait.ge [sflag:s24], $0x1  }
0x21: {  	[sflag:s24] =	ssyncset.done $0x0  }
0x22: {  	s26 =	simm.s32 $0x1B8E;
	s25 =	sld [smem:$0x3FFE];
	[sflag:s24] =	ssyncadd.s32 $0xFFFFFFFF  }
0x23: {  	s27 =	simm.s32 $execute0_lowered;
	[smem:$0x3FD2] =	sst s26  }
0x24: {  	s5 =	sshll.u32 s27, $0x1;
	_ =	strace $0x80000049;
	[dreg:$0x1] =	wrdreg $0xFFFFFFFF  }
0x25: {  	s28 =	simm.s32 $_size_execute0_lowered;
	s3 =	sadd.s32 s3, s5;
	[dreg:$0x0] =	wrdreg $0x0  }
0x26: {  	s5 =	sshll.u32 s28, $0x1;
	[dreg:$0x2] =	wrdreg s3  }
0x27: {  	[dreg:$0x3] =	wrdreg s5  }
0x28: {  	[dreg:$0x4] =	wrdreg $0xC0  }
0x29: {  	_ =	task [dreg:s7], $0x5FFFF  }
0x2a: {  	[dreg:$0x1] =	wrdreg $0xFFFFFFFF  }
0x2b: {  	[dreg:$0x0] =	wrdreg $0x60  }
0x2c: {  	[dreg:$0x2] =	wrdreg s25  }
0x2d: {  	[dreg:$0x3] =	wrdreg s17  }
0x2e: {  	[dreg:$0x4] =	wrdreg $0x9  }
0x2f: {  	_ =	task.clear_ibuf [dreg:s7], $0x5FFFF;
	_ =	strace $0x90000049  }
0x30: {  	s29 =	simm.s32 $0x9;
	_ =	strace $0x8000004B  }
0x31: {  	_ =	swait.ge [sflag:s29], $0x1  }
0x32: {  	[sflag:s29] =	ssyncadd.s32 $0xFFFFFFFF  }
0x33: {  	_ =	strace $0x9000004B  }
0x34: {  	_ =	sfence  }
0x35: {  	s30 =	sld [smem:$0x0];
	_ =	sdelay $0x2  }
0x36: {  	s31 =	sshll.u32 s1, $0xD;
	s1 =	sshrl.u32 s1, $0x2  }
0x37: {  	s3 =	sand.u32 $0x4000, s31;
	s1 =	sadd.s32 s1, s30  }
0x38: {  	s0 =	sor.u32 s3, s0;
	s1 =	sshll.u32 s1, $0x11  }
0x39: {  	s0 =	sor.u32 s1, s0  }
0x3a: {  	s0 =	sadd.s32 $0x8F2B, s0  }
0x3b: {  	[sflag:s0] =	ssyncadd.remote.s32 $0x1  }
0x3c: {  	_ =	sfence.sel $0xFFFF  }
0x3d: {  	[dreg:$0x0] =	wrdreg $0xFFFFFFFF;
	(pc) =	sbr.abs _section_cstart, $3  }
0x3e: {  	[dreg:$0x1] =	wrdreg $0xFFFFFFFF  }
0x3f: {  	_ =	task.clear_ibuf [dreg:s7], $0x2FFFF;
	_ =	strace $0x9FFFFFFF  }
0x40: {  	(tm) =	ssettm $0x7FFFFFFF  }
0x41: {  	_ =	shalt  }
tec
execute0_lowered:
.L_overlay_start_1:
0x0: {  	(tag) =	ssettag $0x1  }
0x1: {  	s0 =	srdreg.scid  }
0x2: {  	s1 =	sshll.u32 s0, $0x4  }
0x3: {  	s5 =	rddreg [dreg:$0x0];
	s0 =	stileid.u32;
	s1 =	sand.u32 $0x10, s1  }
0x4: {  	s3 =	rddreg [dreg:$0x1];
	s31 =	simm.s32 $0x2;
	s4 =	sor.u32 s0, s1  }
0x5: {  	s13 =	simm.s32 $0x0;
	s9 =	simm.s32 $0x400;
	s2 =	sshll.u32 s4, $0x7  }
0x6: {  	s10 =	simm.s32 $0x8000;
	s14 =	simm.s32 $0x0;
	s6 =	ssub.s32 $0x1000, s2  }
0x7: {  	s1 =	rddreg [dreg:$0x2];
	_ =	strace $0x8000004A;
	s7 =	sand.u32 $0xF80, s6  }
0x8: {  	s4 =	sshll.u32 s4, $0xB;
	p0 =	sne.s32 s7, $0x0;
	s7 =	simm.s32 $0x1  }
.Ltmp0:
0x9: {  	s6 =	sshrl.u32 s6, $0xC;
	s7 =	simm.s32 @!p0 $0x0;
	(pc) =	sbr.rel .LBB1_1-.Ltmp0, $4  }
0xa: {  	s8 =	sadd.s32 s4, s5;
	s4 =	simm.s32 $0x1;
	s30 =	sadd.s32 s7, s6  }
0xb: {  	s11 =	simm.s32 $0x0;
	[sflag:s4] =	ssyncpa.u1 $0x0;
	s5 =	smul.u32 $0x64, s30  }
0xc: {  	s12 =	simm.s32 $0x0;
	[sflag:s31] =	ssyncpa.u1 $0x0;
	p0 =	por $0x0, $0x0  }
0xd: {  	s6 =	sadd.s32 $0x187600, s8;
	s7 =	sadd.s32 $0x197600, s8;
	s8 =	sor.u32 $0x1, s5  }
.LBB1_7:
0xe: {  	s15 =	sadd.s32 $0x2, s11  }
0xf: {  	p2 =	sgt.s32 s15, $0xC7  }
0x10: {  	s15 =	simm.s32 @p2 $0x0;
	p2 =	sne.s32 s12, s8  }
.Ltmp1:
0x11: {  	p1 =	slt.u32 s12, $0x2;
	(pc) =	sbr.rel @!p2 .LBB1_8-.Ltmp1, $4  }
0x12: {  	s13 =	simm.s32 @!p1 $0x2  }
0x13: {  	s16 =	sadd.s32 $0x1, s12;
	s14 =	smov.u32 s11;
	_ =	swait.ge @!p1 [sflag:s13], $0x4000  }
0x14: {  	p0 =	por !p0, !p0;
	s12 =	smov.u32 s16;
	[sflag:s13] =	ssyncset.done @!p1 $0x0  }
0x15: {  	s11 =	smov.u32 s15;
	[sflag:s13] =	ssyncadd.s32 @!p1 $0xFFFFC000;
	s13 =	smov.u32 s2  }
.LBB1_1:
0x16: {  	p1 =	sge.u32 s12, s5  }
0x17: {  	s15 =	sxor.u32 @!p1 $0xFFFFFFFF, s12  }
0x18: {  	s16 =	sshll.u32 @!p1 s11, $0x10;
	s18 =	simm.s32 @!p1 $0x40;
	s15 =	sshll.u32 @!p1 s15, $0xE  }
0x19: {  	s19 =	simm.s32 @!p1 $0x80;
	s17 =	sadd.s32 @!p1 s16, s6;
	s15 =	sand.u32 @!p1 $0x4000, s15  }
0x1a: {  	[tilespmem:s15], [sflag:$0x1] =	stream.strided.gather @!p1 [hbm4b:s17+s18], $0x2000, s19, s18, $0x38;
	[tilespmem:$0x10100] =	vst v63  }
0x1b: {  	s31 =	sadd.s32 $0xFFFFFFFF, s12;
	s16 =	sadd.s32 @!p1 s16, s7;
	s15 =	sor.u32 @!p1 $0x2000, s15  }
0x1c: {  	[tilespmem:s15], [sflag:$0x1] =	stream.strided.gather @!p1 [hbm4b:s16+s18], $0x2000, s19, s18, $0x38;
	[tilespmem:$0x10100] =	vst v63  }
0x1d: {  	p1 =	sge.u32 s31, s5  }
.Ltmp2:
0x1e: {  	_ = 	snop;
	(pc) =	sbr.rel @p1 .LBB1_7-.Ltmp2, $1  }
0x1f: {  	_ =	sdelay $0x3  }
0x20: {  	s15 =	simm.s32 $0x1;
	s17 =	sand.u32 $0x1, s12  }
0x21: {  	_ =	swait.ge [sflag:s4], $0x4000;
	s15 =	simm.s32 @!p0 $0x0;
	s17 =	smul.u32 $0x10200, s17  }
0x22: {  	p2 =	por $0x1, $0x1;
	[sflag:s4] =	ssyncset.done $0x0;
	s16 =	smul.u32 $0x10200, s15  }
0x23: {  	s18 =	sshll.u32 s15, $0x10;
	[sflag:s4] =	ssyncadd.s32 $0xFFFFC000;
	s30 =	sshrl.u32 s17, $0x2  }
0x24: {  	s31 =	sshrl.u32 s18, $0x2;
	s18 =	simm.s32 $0x0;
	s16 =	sshrl.u32 s16, $0x2  }
0x25: {  	s15 =	sor.u32 $0x8000, s30;
	s17 =	sadd.s32 $0x20, s31;
	s16 =	sor.u32 $0x8000, s16  }
.LBB1_3:
0x26: {  	s19 =	sshll.u32 s18, $0xD  }
0x27: {  	s19 =	sand.u32 $0x3FFFE000, s19  }
0x28: {  	s21 =	sadd.s32 s19, s17  }
0x29: {  	s31 =	smul.u32 $0x8100, s18;
	v3 =	vld [tilespmem:s21+$0x10]  }
0x2a: {  	v1 =	vld [tilespmem:s21+$0xFFFFFFF0]  }
0x2b: {  	s18 =	sshra.s32 s31, $0x2;
	v0 =	vld [tilespmem:s21+$0x0]  }
0x2c: {  	s18 =	sadd.s32 s18, s16;
	v2 =	vld [tilespmem:s21+$0xFFFFFFE0]  }
0x2d: {  	s19 =	sadd.s32 $0x0, s18  }
0x2e: {  	p1 =	por p2, p2;
	s20 =	simm.s32 $0x4;
	s21 =	sadd.s32 $0x40, s21;
	[tilespmem:s19+$0x1830 ss:$0x81] =	vst.msk $0xffff, v3  }
.LBB1_4:
0x2f: {  	v3 =	vld [tilespmem:s21+$0x10];
	p2 =	sne.s32 s20, $0x1FC;
	[tilespmem:s19+$0x810 ss:$0x81] =	vst.msk $0xffff, v1;
	s22 =	smov.u32 s20;
	s20 =	sadd.s32 $0x4, s20  }
.Ltmp3:
0x30: {  	v1 =	vld [tilespmem:s21+$0xFFFFFFF0];
	[tilespmem:s19+$0x1020 ss:$0x81] =	vst.msk $0xffff, v0;
	(pc) =	sbr.rel @p2 .LBB1_4-.Ltmp3, $4  }
0x31: {  	v0 =	vld [tilespmem:s21+$0x0];
	[tilespmem:s19+$0x0 ss:$0x81] =	vst.msk $0xffff, v2  }
0x32: {  	s19 =	sshra.s32 s22, $0x2;
	v2 =	vld [tilespmem:s21+$0xFFFFFFE0]  }
0x33: {  	s19 =	sadd.s32 s19, s18  }
0x34: {  	s21 =	sadd.s32 $0x40, s21;
	[tilespmem:s19+$0x1830 ss:$0x81] =	vst.msk $0xffff, v3  }
.Ltmp4:
0x35: {  	(pc) =	sbr.rel @p1 .LBB1_3-.Ltmp4, $4  }
0x36: {  	_ = 	snop  }
0x37: {  	[tilespmem:s19+$0x810 ss:$0x81] =	vst.msk $0xffff, v1  }
0x38: {  	[tilespmem:s19+$0x1020 ss:$0x81] =	vst.msk $0xffff, v0  }
0x39: {  	s18 =	simm.s32 $0x1;
	p2 =	por $0x0, $0x0;
	[tilespmem:s19+$0x0 ss:$0x81] =	vst.msk $0xffff, v2  }
.Ltmp5:
0x3a: {  	(pc) =	sbr.rel .LBB1_7-.Ltmp5, $4  }
0x3b: {  	s14 =	sshll.u32 s14, $0xF  }
0x3c: {  	s14 =	sadd.s32 s3, s14  }
0x3d: {  	s13 =	sadd.s32 s13, s14  }
0x3e: {  	[hbm4b:s13+s9] =	stream.strided.scatter [tilespmem:s15], [sflag:$0x2], $0x4000, s10, s9, $0x20;
	[tilespmem:$0x10100] =	vst v63  }
.LBB1_8:
0x3f: {  	_ =	sfence.sel $0x180000  }
0x40: {  	s2 =	simm.s32 $0x1;
	[bflag:$0x0] =	sbarrier.arrive $0xFFFF  }
0x41: {  	s31 =	simm.s32 $0x2;
	[sflag:s2] =	ssyncpa.u1 $0x1  }
0x42: {  	[sflag:s31] =	ssyncpa.u1 $0x1  }
0x43: {  	p0 =	sne.s32 s0, $0x0;
	_ =	strace $0x9000004A  }
0x44: {  	s0 =	sadd.s32 @!p0 $0x100000, s1;
	[bflag:$0x2] =	sbarrier.arrive $0xFFFF  }
0x45: {  	[sflag:s0] =	ssyncadd.tile.s32 @!p0 $0x1;
	_ =	shalt  }
.Lfunc_end1:
_tile_overlayer_lowered:
.L_overlay_start_2:
0x46: {  	(tag) =	ssettag $0x2  }
0x47: {  	s0 =	rddreg [dreg:$0x0];
	s2 =	stileid.u32  }
0x48: {  	s1 =	rddreg [dreg:$0x1];
	p0 =	sne.s32 s2, $0x0  }
0x49: {  	s3 =	rddreg [dreg:$0x2];
	[bflag:$0x3] =	sbarrier.arrive $0xFFFF;
	s2 =	simm.s32 @!p0 $0x1C01  }
0x4a: {  	[timem:s3], [sflag:s2] =	dma.local @!p0 [hbm:s0], s1  }
0x4b: {  	s0 =	simm.s32 @!p0 $0x1  }
0x4c: {  	_ =	swait.ge @!p0 [sflag:s0], s1  }
0x4d: {  	s1 =	ssub.s32 @!p0 $0x0, s1;
	[sflag:s0] =	ssyncset.done @!p0 $0x0  }
0x4e: {  	[sflag:s0] =	ssyncadd.s32 @!p0 s1  }
0x4f: {  	[bflag:$0x3] =	sbarrier.arrive $0xFFFF  }
0x50: {  	_ =	shalt  }

</sc_bundles>
